<compile_context>
chip_gen: v7x
topology: tpu7x:2x2x1
jax: 0.10.2.dev20260603
libtpu: 0.0.44.dev20260713+nightly
codegen_flags: <defaults>
</compile_context>

<pallas_src>
import jax
import jax.numpy as jnp
from jax import lax
from jax.experimental import pallas as pl
from jax.experimental.pallas import tpu as pltpu
from jax.experimental.pallas import tpu_sc as plsc

_L = 16
_NVALID = 26


def _body(idx_hbm, tv_hbm, w_hbm, out_hbm, idx_v, vals_v, w_v, out_v, sem_g):
    cid = lax.axis_index("c")
    sid = lax.axis_index("s")

    @pl.when(jnp.logical_and(cid == 0, sid == 0))
    def _():
        lane = lax.iota(jnp.int32, _L)
        idx_v[pl.ds(_L, _L)] = jnp.zeros((_L,), jnp.int32)
        pltpu.sync_copy(idx_hbm, idx_v.at[pl.ds(0, _NVALID)])
        pltpu.sync_copy(w_hbm, w_v.at[pl.ds(0, 1)])
        pltpu.async_copy(tv_hbm.at[idx_v], vals_v, sem_g).wait()

        dnums = lax.GatherDimensionNumbers(
            offset_dims=(), collapsed_slice_dims=(0,), start_index_map=(0,))

        def bcast_sum(x):
            for shift in (8, 4, 2, 1):
                x = x + lax.gather(
                    x, (lane ^ shift)[:, None], dimension_numbers=dnums,
                    slice_sizes=(1,),
                    mode=lax.GatherScatterMode.PROMISE_IN_BOUNDS)
            return x

        v0 = vals_v[pl.ds(0, _L)]
        v1 = jnp.where(lane < (_NVALID - _L), vals_v[pl.ds(_L, _L)], 0.0)
        s16 = bcast_sum(v0 + v1)
        w16 = bcast_sum(jnp.where(lane == 0, w_v[...], 0.0))
        out_v[...] = w16 * s16
        pltpu.sync_copy(out_v, out_hbm)


@jax.jit
def kernel(f, ti, tv, weight):
    call = pl.kernel(
        _body,
        mesh=plsc.VectorSubcoreMesh(core_axis_name="c", subcore_axis_name="s"),
        out_type=jax.ShapeDtypeStruct((_L,), jnp.float32),
        scratch_types=[
            pltpu.VMEM((2 * _L,), jnp.int32),
            pltpu.VMEM((2 * _L,), jnp.float32),
            pltpu.VMEM((_L,), jnp.float32),
            pltpu.VMEM((_L,), jnp.float32),
            pltpu.SemaphoreType.DMA,
        ],
    )
    m = call(ti.astype(jnp.int32), tv, weight)
    return f * m[0]

# --- scband reference (transcript-rebuilt; emitter-appended) ---
"""Pipeline reference for scband-microbench-unbacked-tolist-sum-41317585388062 (READ-ONLY COPY).

The authoritative reference and input builder live on the scoring server;
editing this copy changes nothing except your own understanding.
"""

import jax, jax.numpy as jnp
import numpy as np


def setup_inputs(seed: int = 0) -> dict:
    key = jax.random.key(seed)
    k_f, k_ti, k_tv, k_w = jax.random.split(key, 4)
    f = jax.random.normal(k_f, (4096, 128), dtype=jnp.float32)
    ti = jax.random.randint(k_ti, (26,), 0, 1000000, dtype=jnp.int64)
    tv = jax.random.normal(k_tv, (1000000,), dtype=jnp.float32)
    weight = jax.random.normal(k_w, (1,), dtype=jnp.float32)
    return {"f": f, "ti": ti, "tv": tv, "weight": weight}


def reference(f, ti, tv, weight):
    # Faithful translation: sum of tv[i] over each index i in ti, then f * weight * sum.
    # The torch loop `sum += tv[i].item()` is a gather + reduce over the index list.
    gathered = jnp.take(tv, ti, axis=0)
    s = jnp.sum(gathered)
    return f * weight * s

if __name__ == "__main__":
    import jax
    _d = setup_inputs()
    print(jax.jit(kernel)(*tuple(_d.values())))

</pallas_src>

<mosaic_0001>
#map = affine_map<(d0, d1) -> (0)>
module attributes {stable_mosaic.version = 14 : i64} {
  func.func @_body(%arg0: i32, %arg1: i32, %arg2: memref<26xi32, #tpu.memory_space<hbm>>, %arg3: memref<1000000xf32, #tpu.memory_space<hbm>>, %arg4: memref<1xf32, #tpu.memory_space<hbm>>, %arg5: memref<16xf32, #tpu.memory_space<hbm>>, %arg6: memref<32xi32, #tpu.memory_space<vmem>>, %arg7: memref<32xf32, #tpu.memory_space<vmem>>, %arg8: memref<16xf32, #tpu.memory_space<vmem>>, %arg9: memref<16xf32, #tpu.memory_space<vmem>>, %arg10: memref<!tpu.dma_semaphore, #tpu.memory_space<semaphore_mem>>) attributes {dimension_semantics = [#tpu.dimension_semantics<core_parallel>, #tpu.dimension_semantics<subcore_parallel>], iteration_bounds = array<i64: 2, 16>, scalar_prefetch = 0 : i64, scratch_operands = 5 : i64, tpu.core_type = #tpu.core_type<sc_vector_subcore>, window_params = [{transform_indices = #map}, {transform_indices = #map}, {transform_indices = #map}, {transform_indices = #map}]} {
    %eq3A = arith.constant 0 : i32
    %eq3A_0 = arith.cmpi eq, %arg0, %eq3A : i32
    %eq3A_1 = arith.constant 0 : i32
    %eq3A_2 = arith.cmpi eq, %arg1, %eq3A_1 : i32
    %and3A = arith.andi %eq3A_0, %eq3A_2 : i1
    %convert_element_type3A = arith.extui %and3A : i1 to i32
    %cond3A = arith.constant 0 : i32
    %cond3A_3 = arith.cmpi ne, %convert_element_type3A, %cond3A : i32
    scf.if %cond3A_3 {
      %iota3A = tpu.iota {dimensions = array<i32: 0>} : vector<16xi32>
      %broadcast_in_dim3A = arith.constant 0 : i32
      %broadcast_in_dim3A_4 = vector.broadcast %broadcast_in_dim3A : i32 to vector<16xi32>
      %swap3A = arith.constant 16 : index
      %swap3A_5 = tpu.vector_load %arg6[%swap3A] {strides = array<i32>} : memref<32xi32, #tpu.memory_space<vmem>>, vector<16xi32>,
      %swap3A_6 = vector.shape_cast %swap3A_5 : vector<16xi32> to vector<16xi32>
      %swap3A_7 = vector.shape_cast %broadcast_in_dim3A_4 : vector<16xi32> to vector<16xi32>
      tpu.vector_store %arg6[%swap3A], %swap3A_7 {strides = array<i32>} : memref<32xi32, #tpu.memory_space<vmem>>, vector<16xi32>,
      "tpu.region"() ({
        %run_scoped3A = tpu.sem_alloc : memref<!tpu.dma_semaphore, #tpu.memory_space<semaphore_mem>>
        %dma_start3A_85 = arith.constant 0 : i32
        %dma_start3A_86 = tpu.memref_slice %arg6[%dma_start3A_85] : memref<32xi32, #tpu.memory_space<vmem>> -> memref<26xi32, #tpu.memory_space<vmem>>
        %dma_start3A_87 = arith.constant 0 : i32
        %dma_start3A_88 = tpu.memref_slice %arg6[%dma_start3A_87] : memref<32xi32, #tpu.memory_space<vmem>> -> memref<26xi32, #tpu.memory_space<vmem>>
        tpu.enqueue_dma source(%arg2 : memref<26xi32, #tpu.memory_space<hbm>>) target(%dma_start3A_88 : memref<26xi32, #tpu.memory_space<vmem>>) target_semaphore(%run_scoped3A : memref<!tpu.dma_semaphore, #tpu.memory_space<semaphore_mem>>)
        %dma_wait3A_89 = arith.constant 0 : i32
        %dma_wait3A_90 = tpu.memref_slice %arg6[%dma_wait3A_89] : memref<32xi32, #tpu.memory_space<vmem>> -> memref<26xi32, #tpu.memory_space<vmem>>
        %dma_wait3A_91 = arith.constant 0 : i32
        %dma_wait3A_92 = tpu.memref_slice %arg6[%dma_wait3A_91] : memref<32xi32, #tpu.memory_space<vmem>> -> memref<26xi32, #tpu.memory_space<vmem>>
        tpu.wait_dma2 semaphore(%run_scoped3A : memref<!tpu.dma_semaphore, #tpu.memory_space<semaphore_mem>>) src(%arg2 : memref<26xi32, #tpu.memory_space<hbm>>) dst(%dma_wait3A_92 : memref<26xi32, #tpu.memory_space<vmem>>)
        tpu.yield
      }) : () -> ()
      "tpu.region"() ({
        %run_scoped3A = tpu.sem_alloc : memref<!tpu.dma_semaphore, #tpu.memory_space<semaphore_mem>>
        %dma_start3A_85 = arith.constant 0 : i32
        %dma_start3A_86 = tpu.memref_slice %arg8[%dma_start3A_85] : memref<16xf32, #tpu.memory_space<vmem>> -> memref<1xf32, #tpu.memory_space<vmem>>
        %dma_start3A_87 = arith.constant 0 : i32
        %dma_start3A_88 = tpu.memref_slice %arg8[%dma_start3A_87] : memref<16xf32, #tpu.memory_space<vmem>> -> memref<1xf32, #tpu.memory_space<vmem>>
        tpu.enqueue_dma source(%arg4 : memref<1xf32, #tpu.memory_space<hbm>>) target(%dma_start3A_88 : memref<1xf32, #tpu.memory_space<vmem>>) target_semaphore(%run_scoped3A : memref<!tpu.dma_semaphore, #tpu.memory_space<semaphore_mem>>)
        %dma_wait3A_89 = arith.constant 0 : i32
        %dma_wait3A_90 = tpu.memref_slice %arg8[%dma_wait3A_89] : memref<16xf32, #tpu.memory_space<vmem>> -> memref<1xf32, #tpu.memory_space<vmem>>
        %dma_wait3A_91 = arith.constant 0 : i32
        %dma_wait3A_92 = tpu.memref_slice %arg8[%dma_wait3A_91] : memref<16xf32, #tpu.memory_space<vmem>> -> memref<1xf32, #tpu.memory_space<vmem>>
        tpu.wait_dma2 semaphore(%run_scoped3A : memref<!tpu.dma_semaphore, #tpu.memory_space<semaphore_mem>>) src(%arg4 : memref<1xf32, #tpu.memory_space<hbm>>) dst(%dma_wait3A_92 : memref<1xf32, #tpu.memory_space<vmem>>)
        tpu.yield
      }) : () -> ()
      %dma_start3A = arith.constant 0 : i32
      %dma_start3A_8 = tpu.memref_slice %arg3[%dma_start3A] : memref<1000000xf32, #tpu.memory_space<hbm>> -> memref<1000000xf32, #tpu.memory_space<hbm>>
      tpu.enqueue_indirect_dma source(%dma_start3A_8 : memref<1000000xf32, #tpu.memory_space<hbm>>) target(%arg7 : memref<32xf32, #tpu.memory_space<vmem>>) offsets(%arg6 : memref<32xi32, #tpu.memory_space<vmem>>) semaphore(%arg10 : memref<!tpu.dma_semaphore, #tpu.memory_space<semaphore_mem>>)
      %dma_wait3A = arith.constant 0 : i32
      %dma_wait3A_9 = tpu.memref_slice %arg3[%dma_wait3A] : memref<1000000xf32, #tpu.memory_space<hbm>> -> memref<1000000xf32, #tpu.memory_space<hbm>>
      tpu.wait_indirect_dma semaphore(%arg10 : memref<!tpu.dma_semaphore, #tpu.memory_space<semaphore_mem>>) src(%dma_wait3A_9 : memref<1000000xf32, #tpu.memory_space<hbm>>) dst(%arg7 : memref<32xf32, #tpu.memory_space<vmem>>)
      %get3A = arith.constant 0 : index
      %get3A_10 = tpu.vector_load %arg7[%get3A] {strides = array<i32>} : memref<32xf32, #tpu.memory_space<vmem>>, vector<16xf32>,
      %get3A_11 = vector.shape_cast %get3A_10 : vector<16xf32> to vector<16xf32>
      %lt3A = arith.constant 10 : i32
      %lt3A_12 = vector.broadcast %lt3A : i32 to vector<16xi32>
      %lt3A_13 = arith.cmpi slt, %iota3A, %lt3A_12 : vector<16xi32>
      %get3A_14 = arith.constant 16 : index
      %get3A_15 = tpu.vector_load %arg7[%get3A_14] {strides = array<i32>} : memref<32xf32, #tpu.memory_space<vmem>>, vector<16xf32>,
      %get3A_16 = vector.shape_cast %get3A_15 : vector<16xf32> to vector<16xf32>
      %jit3A = arith.constant 0.000000e+00 : f32
      %broadcast_in_dim3A_17 = vector.broadcast %jit3A : f32 to vector<16xf32>
      %select_n3A = arith.select %lt3A_13, %get3A_16, %broadcast_in_dim3A_17 : vector<16xi1>, vector<16xf32>
      %add3A = arith.addf %get3A_11, %select_n3A : vector<16xf32>
      %xor3A = arith.constant 8 : i32
      %xor3A_18 = vector.broadcast %xor3A : i32 to vector<16xi32>
      %xor3A_19 = arith.xori %iota3A, %xor3A_18 : vector<16xi32>
      %broadcast_in_dim3A_20 = vector.shape_cast %xor3A_19 : vector<16xi32> to vector<16x1xi32>
      %gather3A = vector.shape_cast %broadcast_in_dim3A_20 : vector<16x1xi32> to vector<16xi32>
      %gather3A_21 = tpu.dynamic_gather %add3A[%gather3A] in [0] : vector<16xf32>, vector<16xi32> -> vector<16xf32>
      %add3A_22 = arith.addf %add3A, %gather3A_21 : vector<16xf32>
      %xor3A_23 = arith.constant 4 : i32
      %xor3A_24 = vector.broadcast %xor3A_23 : i32 to vector<16xi32>
      %xor3A_25 = arith.xori %iota3A, %xor3A_24 : vector<16xi32>
      %broadcast_in_dim3A_26 = vector.shape_cast %xor3A_25 : vector<16xi32> to vector<16x1xi32>
      %gather3A_27 = vector.shape_cast %broadcast_in_dim3A_26 : vector<16x1xi32> to vector<16xi32>
      %gather3A_28 = tpu.dynamic_gather %add3A_22[%gather3A_27] in [0] : vector<16xf32>, vector<16xi32> -> vector<16xf32>
      %add3A_29 = arith.addf %add3A_22, %gather3A_28 : vector<16xf32>
      %xor3A_30 = arith.constant 2 : i32
      %xor3A_31 = vector.broadcast %xor3A_30 : i32 to vector<16xi32>
      %xor3A_32 = arith.xori %iota3A, %xor3A_31 : vector<16xi32>
      %broadcast_in_dim3A_33 = vector.shape_cast %xor3A_32 : vector<16xi32> to vector<16x1xi32>
      %gather3A_34 = vector.shape_cast %broadcast_in_dim3A_33 : vector<16x1xi32> to vector<16xi32>
      %gather3A_35 = tpu.dynamic_gather %add3A_29[%gather3A_34] in [0] : vector<16xf32>, vector<16xi32> -> vector<16xf32>
      %add3A_36 = arith.addf %add3A_29, %gather3A_35 : vector<16xf32>
      %xor3A_37 = arith.constant 1 : i32
      %xor3A_38 = vector.broadcast %xor3A_37 : i32 to vector<16xi32>
      %xor3A_39 = arith.xori %iota3A, %xor3A_38 : vector<16xi32>
      %broadcast_in_dim3A_40 = vector.shape_cast %xor3A_39 : vector<16xi32> to vector<16x1xi32>
      %gather3A_41 = vector.shape_cast %broadcast_in_dim3A_40 : vector<16x1xi32> to vector<16xi32>
      %gather3A_42 = tpu.dynamic_gather %add3A_36[%gather3A_41] in [0] : vector<16xf32>, vector<16xi32> -> vector<16xf32>
      %add3A_43 = arith.addf %add3A_36, %gather3A_42 : vector<16xf32>
      %eq3A_44 = arith.constant 0 : i32
      %eq3A_45 = vector.broadcast %eq3A_44 : i32 to vector<16xi32>
      %eq3A_46 = arith.cmpi eq, %iota3A, %eq3A_45 : vector<16xi32>
      %get3A_47 = arith.constant 0 : index
      %get3A_48 = tpu.vector_load %arg8[%get3A_47] {strides = array<i32>} : memref<16xf32, #tpu.memory_space<vmem>>, vector<16xf32>,
      %get3A_49 = vector.shape_cast %get3A_48 : vector<16xf32> to vector<16xf32>
      %jit3A_50 = arith.constant 0.000000e+00 : f32
      %broadcast_in_dim3A_51 = vector.broadcast %jit3A_50 : f32 to vector<16xf32>
      %select_n3A_52 = arith.select %eq3A_46, %get3A_49, %broadcast_in_dim3A_51 : vector<16xi1>, vector<16xf32>
      %xor3A_53 = arith.constant 8 : i32
      %xor3A_54 = vector.broadcast %xor3A_53 : i32 to vector<16xi32>
      %xor3A_55 = arith.xori %iota3A, %xor3A_54 : vector<16xi32>
      %broadcast_in_dim3A_56 = vector.shape_cast %xor3A_55 : vector<16xi32> to vector<16x1xi32>
      %gather3A_57 = vector.shape_cast %broadcast_in_dim3A_56 : vector<16x1xi32> to vector<16xi32>
      %gather3A_58 = tpu.dynamic_gather %select_n3A_52[%gather3A_57] in [0] : vector<16xf32>, vector<16xi32> -> vector<16xf32>
      %add3A_59 = arith.addf %select_n3A_52, %gather3A_58 : vector<16xf32>
      %xor3A_60 = arith.constant 4 : i32
      %xor3A_61 = vector.broadcast %xor3A_60 : i32 to vector<16xi32>
      %xor3A_62 = arith.xori %iota3A, %xor3A_61 : vector<16xi32>
      %broadcast_in_dim3A_63 = vector.shape_cast %xor3A_62 : vector<16xi32> to vector<16x1xi32>
      %gather3A_64 = vector.shape_cast %broadcast_in_dim3A_63 : vector<16x1xi32> to vector<16xi32>
      %gather3A_65 = tpu.dynamic_gather %add3A_59[%gather3A_64] in [0] : vector<16xf32>, vector<16xi32> -> vector<16xf32>
      %add3A_66 = arith.addf %add3A_59, %gather3A_65 : vector<16xf32>
      %xor3A_67 = arith.constant 2 : i32
      %xor3A_68 = vector.broadcast %xor3A_67 : i32 to vector<16xi32>
      %xor3A_69 = arith.xori %iota3A, %xor3A_68 : vector<16xi32>
      %broadcast_in_dim3A_70 = vector.shape_cast %xor3A_69 : vector<16xi32> to vector<16x1xi32>
      %gather3A_71 = vector.shape_cast %broadcast_in_dim3A_70 : vector<16x1xi32> to vector<16xi32>
      %gather3A_72 = tpu.dynamic_gather %add3A_66[%gather3A_71] in [0] : vector<16xf32>, vector<16xi32> -> vector<16xf32>
      %add3A_73 = arith.addf %add3A_66, %gather3A_72 : vector<16xf32>
      %xor3A_74 = arith.constant 1 : i32
      %xor3A_75 = vector.broadcast %xor3A_74 : i32 to vector<16xi32>
      %xor3A_76 = arith.xori %iota3A, %xor3A_75 : vector<16xi32>
      %broadcast_in_dim3A_77 = vector.shape_cast %xor3A_76 : vector<16xi32> to vector<16x1xi32>
      %gather3A_78 = vector.shape_cast %broadcast_in_dim3A_77 : vector<16x1xi32> to vector<16xi32>
      %gather3A_79 = tpu.dynamic_gather %add3A_73[%gather3A_78] in [0] : vector<16xf32>, vector<16xi32> -> vector<16xf32>
      %add3A_80 = arith.addf %add3A_73, %gather3A_79 : vector<16xf32>
      %mul3A = arith.mulf %add3A_80, %add3A_43 : vector<16xf32>
      %swap3A_81 = arith.constant 0 : index
      %swap3A_82 = tpu.vector_load %arg9[%swap3A_81] {strides = array<i32>} : memref<16xf32, #tpu.memory_space<vmem>>, vector<16xf32>,
      %swap3A_83 = vector.shape_cast %swap3A_82 : vector<16xf32> to vector<16xf32>
      %swap3A_84 = vector.shape_cast %mul3A : vector<16xf32> to vector<16xf32>
      tpu.vector_store %arg9[%swap3A_81], %swap3A_84 {strides = array<i32>} : memref<16xf32, #tpu.memory_space<vmem>>, vector<16xf32>,
      "tpu.region"() ({
        %run_scoped3A = tpu.sem_alloc : memref<!tpu.dma_semaphore, #tpu.memory_space<semaphore_mem>>
        tpu.enqueue_dma source(%arg9 : memref<16xf32, #tpu.memory_space<vmem>>) target(%arg5 : memref<16xf32, #tpu.memory_space<hbm>>) target_semaphore(%run_scoped3A : memref<!tpu.dma_semaphore, #tpu.memory_space<semaphore_mem>>)
        tpu.wait_dma2 semaphore(%run_scoped3A : memref<!tpu.dma_semaphore, #tpu.memory_space<semaphore_mem>>) src(%arg9 : memref<16xf32, #tpu.memory_space<vmem>>) dst(%arg5 : memref<16xf32, #tpu.memory_space<hbm>>)
        tpu.yield
      }) : () -> ()
    } else {
    }
    return
  }
}

</mosaic_0001>

<sc_bundles>
// kernel: kernel.3.cloned.1.call-start
scs
__scs_entry_jumppad:
0x0: {  	(pc) =	sbr.rel $0x88, $3  }
0x1: {  	(tag) =	ssettag $0x0;
	lr =	simm.s32 $0x1  }
0x2: {  	[smem:$0x3F9D] =	sst lr;
	_ =	strace $0xD0000000  }
0x3: {  	_ = 	snop  }
0x4: {  	_ = 	snop  }
0x5: {  	_ = 	snop  }
0x6: {  	_ = 	snop  }
0x7: {  	_ = 	snop  }
__scs_overlays_trampoline_lowered:
0x8: {  	[smem:$0x3FAC] =	sst s0  }
0x9: {  	[smem:$0x3FAD] =	sst s1  }
0xa: {  	[smem:$0x3FAE] =	sst s2  }
0xb: {  	[smem:$0x3FAF] =	sst s3  }
0xc: {  	[smem:$0x3FB0] =	sst s4  }
0xd: {  	[smem:$0x3FB1] =	sst s5  }
0xe: {  	[smem:$0x3FB2] =	sst s6  }
0xf: {  	[smem:$0x3FB3] =	sst s7  }
0x10: {  	[smem:$0x3FB4] =	sst s8  }
0x11: {  	[smem:$0x3FB5] =	sst s9;
	s0 =	simm.s32 @!p0 $0x0  }
0x12: {  	s1 =	sld [smem:$0x3F9B];
	s0 =	simm.s32 @p0 $0x1  }
0x13: {  	[smem:$0x3FB6] =	sst s0;
	s0 =	simm.s32 @!p1 $0x0  }
0x14: {  	s2 =	sld [smem:$0x3F9A];
	s0 =	simm.s32 @p1 $0x1  }
0x15: {  	[smem:$0x3FB7] =	sst s0;
	s0 =	simm.s32 @!p2 $0x0  }
0x16: {  	s3 =	sld [smem:$0x3FDB];
	s0 =	simm.s32 @p2 $0x1  }
0x17: {  	s4 =	simm.s32 $0x1BF5;
	[smem:$0x3FB9] =	sst s0  }
0x18: {  	s0 =	sld [smem:$0x3F9C];
	_ =	swait.ge [sflag:s4], $0x0  }
0x19: {  	s7 =	sld [smem:$0x3F9D]  }
0x1a: {  	s8 =	sadd.s32 $0xFFFFE003, lr  }
0x1b: {  	s9 =	sadd.s32 $0xFFFFFEF7, lr;
	s5 =	simm.s32 $0xFFFFFFFF;
	p2 =	slt.u32 s8, $0xFFFFF086  }
0x1c: {  	p1 =	slt.u32 s9, $0xF7A;
	s5 =	simm.s32 @!p2 $0x0  }
0x1d: {  	s5 =	simm.s32 @p1 $0x1;
	p0 =	seq.s32 s7, s2  }
0x1e: {  	s7 =	smul.u32 @!p0 $0xF7A, s2;
	p2 =	seq.s32 @!p0 s5, $0x0  }
0x1f: {  	s9 =	smul.u32 $0xF7A, s1;
	s8 =	simm.s32 @!p0 $0x1BF5;
	p2 =	por !p2, p0  }
0x20: {  	[sflag:s8] =	ssyncset.s32 @!p0 $0xFFFFF086;
	s6 =	sadd.s32 @!p0 s3, s7;
	s7 =	simm.s32 @!p0 $0x108  }
0x21: {  	s3 =	sadd.s32 s3, s9;
	s6 =	sadd.s32 @!p0 $0x88, s6;
	s7 =	simm.s32 @p2 $0x1082  }
0x22: {  	[simem:s7], [sflag:s8] =	dma.local @!p0 [hbm:s6], $0xF7A  }
0x23: {  	s9 =	sor.u32 $0xD0000000, s2;
	s6 =	simm.s32 $0x108;
	_ =	swait.ge @!p0 [sflag:s8], $0x0  }
0x24: {  	s3 =	sadd.s32 $0x88, s3;
	s6 =	simm.s32 @!p1 $0x1082;
	[sflag:s4] =	ssyncset.s32 $0xFFFFF086  }
0x25: {  	[simem:s6], [sflag:s4] =	dma.local [hbm:s3], $0xF7A  }
0x26: {  	[smem:$0x3F9D] =	sst s1;
	(tag) =	ssettag s2;
	_ =	strace s9  }
0x27: {  	s1 =	sld [smem:$0x3FAD]  }
0x28: {  	s2 =	sld [smem:$0x3FAE]  }
0x29: {  	s4 =	sld [smem:$0x3FB0]  }
0x2a: {  	p0 =	seq.s32 s5, $0x0;
	s5 =	sld [smem:$0x3FB1]  }
0x2b: {  	s6 =	sld [smem:$0x3FB2]  }
0x2c: {  	s7 =	sld [smem:$0x3FB3]  }
0x2d: {  	s3 =	simm.s32 $0x108;
	s8 =	sld [smem:$0x3FB4]  }
0x2e: {  	s3 =	simm.s32 @!p0 $0x1082;
	s9 =	sld [smem:$0x3FB5]  }
0x2f: {  	lr =	sadd.s32 s0, s3;
	s0 =	sld [smem:$0x3FAC]  }
0x30: {  	s3 =	sld [smem:$0x3FAF]  }
0x31: {  	[smem:$0x3FB8] =	sst s10  }
0x32: {  	s10 =	sld [smem:$0x3FB6];
	_ =	sdelay $0x3  }
0x33: {  	p0 =	seq.s32 s10, $0x1;
	s10 =	sld [smem:$0x3FB8];
	_ =	sdelay $0x3  }
0x34: {  	[smem:$0x3FB8] =	sst s10  }
0x35: {  	s10 =	sld [smem:$0x3FB7];
	_ =	sdelay $0x3  }
0x36: {  	p1 =	seq.s32 s10, $0x1;
	s10 =	sld [smem:$0x3FB8];
	_ =	sdelay $0x3  }
0x37: {  	[smem:$0x3FB8] =	sst s10  }
0x38: {  	s10 =	sld [smem:$0x3FB9]  }
0x39: {  	_ = 	snop;
	(pc) =	sbr.ind lr, $3  }
0x3a: {  	_ = 	snop  }
0x3b: {  	_ = 	snop  }
0x3c: {  	p2 =	seq.s32 s10, $0x1;
	s10 =	sld [smem:$0x3FB8]  }
0x3d: {  	_ =	shalt  }
0x3e: {  	_ =	shalt  }
0x3f: {  	_ =	shalt  }
0x40: {  	_ =	shalt  }
0x41: {  	_ =	shalt  }
0x42: {  	_ =	shalt  }
0x43: {  	_ =	shalt  }
0x44: {  	_ =	shalt  }
0x45: {  	_ =	shalt  }
0x46: {  	_ =	shalt  }
0x47: {  	_ =	shalt  }
0x48: {  	_ =	shalt  }
0x49: {  	_ =	shalt  }
0x4a: {  	_ =	shalt  }
0x4b: {  	_ =	shalt  }
0x4c: {  	_ =	shalt  }
0x4d: {  	_ =	shalt  }
0x4e: {  	_ =	shalt  }
0x4f: {  	_ =	shalt  }
0x50: {  	_ =	shalt  }
0x51: {  	_ =	shalt  }
0x52: {  	_ =	shalt  }
0x53: {  	_ =	shalt  }
0x54: {  	_ =	shalt  }
0x55: {  	_ =	shalt  }
0x56: {  	_ =	shalt  }
0x57: {  	_ =	shalt  }
0x58: {  	_ =	shalt  }
0x59: {  	_ =	shalt  }
0x5a: {  	_ =	shalt  }
0x5b: {  	_ =	shalt  }
0x5c: {  	_ =	shalt  }
0x5d: {  	_ =	shalt  }
0x5e: {  	_ =	shalt  }
0x5f: {  	_ =	shalt  }
0x60: {  	_ =	shalt  }
0x61: {  	_ =	shalt  }
0x62: {  	_ =	shalt  }
0x63: {  	_ =	shalt  }
0x64: {  	_ =	shalt  }
0x65: {  	_ =	shalt  }
0x66: {  	_ =	shalt  }
0x67: {  	_ =	shalt  }
0x68: {  	_ =	shalt  }
0x69: {  	_ =	shalt  }
0x6a: {  	_ =	shalt  }
0x6b: {  	_ =	shalt  }
0x6c: {  	_ =	shalt  }
0x6d: {  	_ =	shalt  }
0x6e: {  	_ =	shalt  }
0x6f: {  	_ =	shalt  }
0x70: {  	_ =	shalt  }
0x71: {  	_ =	shalt  }
0x72: {  	_ =	shalt  }
0x73: {  	_ =	shalt  }
0x74: {  	_ =	shalt  }
0x75: {  	_ =	shalt  }
0x76: {  	_ =	shalt  }
0x77: {  	_ =	shalt  }
0x78: {  	_ =	shalt  }
0x79: {  	_ =	shalt  }
0x7a: {  	_ =	shalt  }
0x7b: {  	_ =	shalt  }
0x7c: {  	_ =	shalt  }
0x7d: {  	_ =	shalt  }
0x7e: {  	_ =	shalt  }
0x7f: {  	_ =	shalt  }
0x80: {  	_ =	shalt  }
0x81: {  	_ =	shalt  }
0x82: {  	_ =	shalt  }
0x83: {  	_ =	shalt  }
0x84: {  	_ =	shalt  }
0x85: {  	_ =	shalt  }
0x86: {  	_ =	shalt  }
0x87: {  	_ =	shalt  }
.Lfunc_end0:
.L_simem_size_0:
called_computation_lowered:
.L_overlay_start_0:
0x88: {  	s2 =	sld [smem:$0x3FD9]  }
0x89: {  	s3 =	sld [smem:$0x3FFE];
	_ =	sdelay $0x1  }
0x8a: {  	s1 =	srdreg.scid  }
0x8b: {  	s0 =	sand.u32 $0x1, s1  }
0x8c: {  	s17 =	sshll.u32 s0, $0xA;
	s2 =	sadd.s32 s3, s2  }
0x8d: {  	s2 =	sadd.s32 s2, s17  }
0x8e: {  	[smem:$0x3FC4] =	sst s2  }
0x8f: {  	_ = 	snop  }
0x90: {  	s2 =	sld [smem:$0x3FC8]  }
0x91: {  	s18 =	sld [smem:$0x3FC7]  }
0x92: {  	s4 =	sld [smem:$0x3FC6];
	(tm) =	ssettm $0x1  }
0x93: {  	s5 =	sld [smem:$0x3FFB];
	_ =	sdelay $0x3  }
0x94: {  	_ =	strace s5  }
0x95: {  	s5 =	sld [smem:$0x3FFC];
	_ =	sdelay $0x3  }
0x96: {  	_ =	strace s5  }
0x97: {  	s5 =	sld [smem:$0x3FFD];
	_ =	sdelay $0x3  }
0x98: {  	_ =	strace s5  }
0x99: {  	_ =	strace $0x8FFFFFFF  }
0x9a: {  	s19 =	sld [smem:$0x3FDB];
	_ =	sdelay $0x1  }
0x9b: {  	s6 =	simm.s32 $_scs_section_size  }
0x9c: {  	s7 =	simm.s32 $_size__tile_overlayer_lowered;
	s8 =	simm.s32 $_tile_overlayer_lowered  }
0x9d: {  	s22 =	simm.s32 $0x1BFF;
	s21 =	sshll.u32 s8, $0x1;
	s5 =	sadd.s32 s6, s19  }
0x9e: {  	s9 =	simm.s32 $0x0;
	s20 =	sshll.u32 s7, $0x1;
	s7 =	sadd.s32 s21, s5  }
0x9f: {  	[timem:s9], [sflag:s22] =	dma.local [hbm:s7], s20  }
0xa0: {  	_ =	swait.ge [sflag:s22], s20  }
0xa1: {  	s6 =	ssub.s32 $0x0, s20;
	[sflag:s22] =	ssyncset.done $0x0  }
0xa2: {  	[sflag:s22] =	ssyncadd.s32 s6;
	_ =	sdelay $0x1  }
0xa3: {  	s23 =	simm.s32 $0x1B8B  }
0xa4: {  	_ =	swait.ge [sflag:s23], $0x1  }
0xa5: {  	[sflag:s23] =	ssyncset.done $0x0  }
0xa6: {  	s25 =	simm.s32 $0x1B8E;
	s24 =	sld [smem:$0x3FFE];
	[sflag:s23] =	ssyncadd.s32 $0xFFFFFFFF  }
0xa7: {  	s26 =	simm.s32 $execute0_lowered;
	[smem:$0x3FD2] =	sst s25  }
0xa8: {  	s7 =	sshll.u32 s26, $0x1;
	_ =	strace $0x80000046;
	[dreg:$0x1] =	wrdreg $0xFFFFFFFF  }
0xa9: {  	s28 =	simm.s32 $_size_execute0_lowered;
	s5 =	sadd.s32 s5, s7;
	[dreg:$0x0] =	wrdreg $0x0  }
0xaa: {  	s7 =	sshll.u32 s28, $0x1;
	[dreg:$0x2] =	wrdreg s5  }
0xab: {  	[dreg:$0x3] =	wrdreg s7  }
0xac: {  	[dreg:$0x4] =	wrdreg $0xC0  }
0xad: {  	_ =	task [dreg:s9], $0x5FFFF  }
0xae: {  	[dreg:$0x1] =	wrdreg $0xFFFFFFFF  }
0xaf: {  	[dreg:$0x0] =	wrdreg $0x60  }
0xb0: {  	[dreg:$0x2] =	wrdreg s2  }
0xb1: {  	[dreg:$0x3] =	wrdreg s18  }
0xb2: {  	[dreg:$0x4] =	wrdreg s4  }
0xb3: {  	[dreg:$0x5] =	wrdreg s24  }
0xb4: {  	[dreg:$0x6] =	wrdreg $0x9  }
0xb5: {  	_ =	task.clear_ibuf [dreg:s9], $0x7FFFF;
	_ =	strace $0x90000046  }
0xb6: {  	s29 =	simm.s32 $0x9;
	_ =	strace $0x80000048  }
0xb7: {  	_ =	swait.ge [sflag:s29], $0x1  }
0xb8: {  	[sflag:s29] =	ssyncadd.s32 $0xFFFFFFFF  }
0xb9: {  	_ =	strace $0x90000048  }
0xba: {  	_ =	sfence  }
0xbb: {  	s30 =	sld [smem:$0x0];
	_ =	sdelay $0x2  }
0xbc: {  	s31 =	sshll.u32 s1, $0xD;
	s1 =	sshrl.u32 s1, $0x2  }
0xbd: {  	s3 =	sand.u32 $0x4000, s31;
	s1 =	sadd.s32 s1, s30  }
0xbe: {  	s0 =	sor.u32 s3, s0;
	s1 =	sshll.u32 s1, $0x11  }
0xbf: {  	s0 =	sor.u32 s1, s0  }
0xc0: {  	s0 =	sadd.s32 $0x8F2B, s0  }
0xc1: {  	[sflag:s0] =	ssyncadd.remote.s32 $0x1  }
0xc2: {  	_ =	sfence.sel $0xFFFF  }
0xc3: {  	[dreg:$0x0] =	wrdreg $0xFFFFFFFF;
	(pc) =	sbr.abs _section_cstart, $3  }
0xc4: {  	[dreg:$0x1] =	wrdreg $0xFFFFFFFF  }
0xc5: {  	_ =	task.clear_ibuf [dreg:s9], $0x2FFFF;
	_ =	strace $0x9FFFFFFF  }
0xc6: {  	(tm) =	ssettm $0x7FFFFFFF  }
0xc7: {  	_ =	shalt  }
tec
execute0_lowered:
.L_overlay_start_1:
0x0: {  	(tag) =	ssettag $0x1  }
0x1: {  	s0 =	srdreg.scid  }
0x2: {  	s12 =	sand.u32 $0x1, s0;
	s0 =	stileid.u32  }
0x3: {  	s5 =	sor.u32 s0, s12  }
0x4: {  	p0 =	sne.s32 s5, $0x0  }
.Ltmp0:
0x5: {  	s2 =	rddreg [dreg:$0x0];
	(pc) =	sbr.rel @p0 .LBB2_4-.Ltmp0, $4  }
0x6: {  	s3 =	rddreg [dreg:$0x1]  }
0x7: {  	s4 =	rddreg [dreg:$0x2]  }
0x8: {  	s11 =	rddreg [dreg:$0x3]  }
0x9: {  	s1 =	rddreg [dreg:$0x4];
	_ =	strace $0x80000047  }
0xa: {  	v0 =	vimm.s32 $0x0  }
0xb: {  	s6 =	simm.s32 $0x0;
	s5 =	simm.s32 $0x2;
	[tilespmem:$0x10] =	vst v0  }
0xc: {  	[tilespmem:s6], [sflag:$0x2] =	stream.linear.gather [hbm4b:s2+s6], $0x1A, $0x38;
	[tilespmem:$0x200] =	vst v63  }
0xd: {  	_ =	swait.ge [sflag:s5], $0x1A  }
0xe: {  	[sflag:s5] =	ssyncset.done $0x0  }
0xf: {  	s7 =	simm.s32 $0x100;
	[sflag:s5] =	ssyncadd.s32 $0xFFFFFFE6  }
0x10: {  	[tilespmem:s7], [sflag:$0x2] =	stream.linear.gather [hbm4b:s4+s6], $0x1, $0x38;
	[tilespmem:$0x200] =	vst v63  }
0x11: {  	_ =	swait.ge [sflag:s5], $0x1  }
0x12: {  	s8 =	simm.s32 $0x20;
	[sflag:s5] =	ssyncset.done $0x0  }
0x13: {  	s9 =	simm.s32 $0x80;
	s10 =	simm.s32 $0x1;
	[sflag:s5] =	ssyncadd.s32 $0xFFFFFFFF  }
0x14: {  	[tilespmem:s9], [sflag:$0x1] =	stream.indirect.gather [hbm4b:s3+s8], $0x1, s6, s8, $0xb8;
	[tilespmem:$0x200] =	vst v63  }
0x15: {  	_ =	swait.ge [sflag:s10], $0x20  }
0x16: {  	[sflag:s10] =	ssyncset.done $0x0  }
0x17: {  	[sflag:s10] =	ssyncadd.s32 $0xFFFFFFE0  }
0x18: {  	v1 =	vimm.s32 $0xFEDCBA98;
	v3 =	vld [tilespmem:$0x90]  }
0x19: {  	v2 =	vimm.s32 $0x76543210;
	v5 =	vimm.s32 $0xBA98FEDC;
	v1 =	vunpack.c.l.s4.s8 v1;
	v4 =	vld [tilespmem:$0x80]  }
0x1a: {  	v6 =	vimm.s32 $0x32107654;
	v2 =	vunpack.c.l.s4.s8 v2;
	v5 =	vunpack.c.l.s4.s8 v5;
	v7 =	vld [tilespmem:$0x100]  }
0x1b: {  	v6 =	vunpack.c.l.s4.s8 v6;
	v1 =	vunpack.c.0.s8.s32 v1  }
0x1c: {  	vm0 =	vmmov $0x3ff;
	v2 =	vunpack.c.0.s8.s32 v2;
	v5 =	vunpack.c.0.s8.s32 v5  }
0x1d: {  	v6 =	vunpack.c.0.s8.s32 v6;
	v1 =	vand.u32 $0xF, v1;
	v3 =	vnsel vm0, $0x0, v3  }
0x1e: {  	vm1 =	vmmov $0x1;
	v1 =	vcombine.low v1, v2;
	v3 =	vadd.f32 v3, v4  }
0x1f: {  	v2 =	vcombine.low v6, v5;
	v6 =	vimm.s32 $0x54761032;
	v5 =	vnsel vm1, $0x0, v7  }
0x20: {  	v4 =	vimm.s32 $0xDCFE98BA;
	v8 =	vperm.xlane v5, v1;
	v7 =	vperm.xlane v3, v1  }
0x21: {  	v6 =	vunpack.c.l.s4.s8 v6;
	v4 =	vunpack.c.l.s4.s8 v4  }
0x22: {  	v60 =	vimm.s32 $0x67452301;
	v5 =	vadd.f32 v8, v5;
	v3 =	vadd.f32 v3, v7  }
0x23: {  	v2 =	vand.u32 $0xF, v2;
	v6 =	vunpack.c.0.s8.s32 v6;
	v4 =	vunpack.c.0.s8.s32 v4  }
0x24: {  	v7 =	vimm.s32 $0xEFCDAB89;
	v10 =	vperm.xlane v5, v2;
	v9 =	vperm.xlane v3, v2  }
0x25: {  	v4 =	vcombine.low v6, v4;
	v6 =	vunpack.c.l.s4.s8 v7;
	v7 =	vunpack.c.l.s4.s8 v60  }
0x26: {  	v5 =	vadd.f32 v10, v5;
	v61 =	vadd.f32 v3, v9  }
0x27: {  	v3 =	vand.u32 $0xF, v4;
	v4 =	vunpack.c.0.s8.s32 v6;
	v6 =	vunpack.c.0.s8.s32 v7  }
0x28: {  	v62 =	vperm.xlane v5, v3;
	v7 =	vperm.xlane v61, v3  }
0x29: {  	v4 =	vcombine.low v6, v4  }
0x2a: {  	v5 =	vadd.f32 v62, v5;
	v6 =	vadd.f32 v61, v7  }
0x2b: {  	v4 =	vand.u32 $0xF, v4  }
0x2c: {  	v63 =	vperm.xlane v5, v4;
	v7 =	vperm.xlane v6, v4  }
0x2d: {  	s12 =	ssub.s32 $0x2, s12  }
0x2e: {  	s13 =	sshrl.u32 s12, $0x1;
	v5 =	vadd.f32 v63, v5;
	v6 =	vadd.f32 v6, v7  }
0x2f: {  	s13 =	ssub.s32 s12, s13  }
0x30: {  	p0 =	sne.s32 s13, $0x1;
	v5 =	vmul.f32 v5, v6  }
.Ltmp1:
0x31: {  	_ = 	snop;
	(pc) =	sbr.rel @!p0 .LBB2_3-.Ltmp1, $4  }
0x32: {  	s11 =	sadd.s32 $0x600, s11;
	s12 =	simm.s32 $0x180;
	[tilespmem:$0x180] =	vst v5  }
0x33: {  	[hbm4b:s11+s6] =	stream.linear.scatter [tilespmem:s12], [sflag:$0x2], $0x80, $0x38;
	[tilespmem:$0x200] =	vst v63  }
0x34: {  	_ =	swait.ge [sflag:s5], $0x80  }
0x35: {  	s13 =	sadd.s32 $0xFFFFFFFF, s13;
	[sflag:s5] =	ssyncset.done $0x0  }
.LBB2_2:
0x36: {  	p0 =	sne.s32 s13, $0x1;
	s13 =	sadd.s32 $0xFFFFFFFF, s13;
	[sflag:s5] =	ssyncadd.s32 $0xFFFFFF80  }
0x37: {  	[tilespmem:$0x10] =	vst v0  }
0x38: {  	[tilespmem:s6], [sflag:$0x2] =	stream.linear.gather [hbm4b:s2+s6], $0x1A, $0x38;
	[tilespmem:$0x200] =	vst v63  }
0x39: {  	_ =	swait.ge [sflag:s5], $0x1A  }
0x3a: {  	[sflag:s5] =	ssyncset.done $0x0  }
0x3b: {  	[sflag:s5] =	ssyncadd.s32 $0xFFFFFFE6  }
0x3c: {  	[tilespmem:s7], [sflag:$0x2] =	stream.linear.gather [hbm4b:s4+s6], $0x1, $0x38;
	[tilespmem:$0x200] =	vst v63  }
0x3d: {  	_ =	swait.ge [sflag:s5], $0x1  }
0x3e: {  	[sflag:s5] =	ssyncset.done $0x0  }
0x3f: {  	[sflag:s5] =	ssyncadd.s32 $0xFFFFFFFF  }
0x40: {  	[tilespmem:s9], [sflag:$0x1] =	stream.indirect.gather [hbm4b:s3+s8], $0x1, s6, s8, $0xb8;
	[tilespmem:$0x200] =	vst v63  }
0x41: {  	_ =	swait.ge [sflag:s10], $0x20  }
0x42: {  	[sflag:s10] =	ssyncset.done $0x0  }
0x43: {  	[sflag:s10] =	ssyncadd.s32 $0xFFFFFFE0  }
0x44: {  	v5 =	vld [tilespmem:$0x90]  }
0x45: {  	v6 =	vld [tilespmem:$0x80]  }
0x46: {  	v7 =	vld [tilespmem:$0x100];
	_ =	sdelay $0x2  }
0x47: {  	v5 =	vnsel vm0, $0x0, v5  }
0x48: {  	v5 =	vadd.f32 v5, v6  }
0x49: {  	v6 =	vnsel vm1, $0x0, v7  }
0x4a: {  	v7 =	vperm.xlane v5, v1;
	v8 =	vperm.xlane v6, v1;
	_ =	sdelay $0x1  }
0x4b: {  	v5 =	vadd.f32 v5, v7;
	v6 =	vadd.f32 v8, v6;
	_ =	sdelay $0x1  }
0x4c: {  	v7 =	vperm.xlane v5, v2;
	v8 =	vperm.xlane v6, v2;
	_ =	sdelay $0x1  }
0x4d: {  	v5 =	vadd.f32 v5, v7;
	v6 =	vadd.f32 v8, v6;
	_ =	sdelay $0x1  }
0x4e: {  	v7 =	vperm.xlane v5, v3;
	v8 =	vperm.xlane v6, v3;
	_ =	sdelay $0x1  }
0x4f: {  	v5 =	vadd.f32 v5, v7;
	v6 =	vadd.f32 v8, v6;
	_ =	sdelay $0x1  }
0x50: {  	v7 =	vperm.xlane v5, v4;
	v8 =	vperm.xlane v6, v4;
	_ =	sdelay $0x1  }
0x51: {  	v5 =	vadd.f32 v5, v7;
	v6 =	vadd.f32 v8, v6;
	_ =	sdelay $0x1  }
0x52: {  	v5 =	vmul.f32 v6, v5  }
.Ltmp2:
0x53: {  	(pc) =	sbr.rel @p0 .LBB2_2-.Ltmp2, $4  }
0x54: {  	[tilespmem:$0x180] =	vst v5  }
0x55: {  	[hbm4b:s11+s6] =	stream.linear.scatter [tilespmem:s12], [sflag:$0x2], $0x80, $0x38;
	[tilespmem:$0x200] =	vst v63  }
0x56: {  	_ =	swait.ge [sflag:s5], $0x80  }
0x57: {  	[sflag:s5] =	ssyncset.done $0x0  }
.LBB2_3:
0x58: {  	[sflag:s5] =	ssyncadd.s32 $0xFFFFFF80  }
.LBB2_4:
0x59: {  	_ =	sfence.sel $0x180000  }
0x5a: {  	[bflag:$0x0] =	sbarrier.arrive $0xFFFF  }
0x5b: {  	p0 =	sne.s32 s0, $0x0;
	_ =	strace $0x90000047  }
0x5c: {  	s0 =	sadd.s32 @!p0 $0x100000, s1;
	[bflag:$0x2] =	sbarrier.arrive $0xFFFF  }
0x5d: {  	[sflag:s0] =	ssyncadd.tile.s32 @!p0 $0x1;
	_ =	shalt  }
.Lfunc_end2:
_tile_overlayer_lowered:
.L_overlay_start_2:
0x5e: {  	(tag) =	ssettag $0x2  }
0x5f: {  	s0 =	rddreg [dreg:$0x0];
	s2 =	stileid.u32  }
0x60: {  	s1 =	rddreg [dreg:$0x1];
	p0 =	sne.s32 s2, $0x0  }
0x61: {  	s3 =	rddreg [dreg:$0x2];
	[bflag:$0x3] =	sbarrier.arrive $0xFFFF;
	s2 =	simm.s32 @!p0 $0x1C02  }
0x62: {  	[timem:s3], [sflag:s2] =	dma.local @!p0 [hbm:s0], s1  }
0x63: {  	s0 =	simm.s32 @!p0 $0x2  }
0x64: {  	_ =	swait.ge @!p0 [sflag:s0], s1  }
0x65: {  	s1 =	ssub.s32 @!p0 $0x0, s1;
	[sflag:s0] =	ssyncset.done @!p0 $0x0  }
0x66: {  	[sflag:s0] =	ssyncadd.s32 @!p0 s1  }
0x67: {  	[bflag:$0x3] =	sbarrier.arrive $0xFFFF  }
0x68: {  	_ =	shalt  }

</sc_bundles>
